<compile_context>
chip_gen: v7x
topology: tpu7x:2x2x1
jax: 0.10.2.dev20260603
libtpu: 0.0.44.dev20260713+nightly
codegen_flags: <defaults>
</compile_context>

<pallas_src>
import functools

import jax
import jax.numpy as jnp
from jax import lax
from jax.experimental import pallas as pl
from jax.experimental.pallas import tpu as pltpu
from jax.experimental.pallas import tpu_sc as plsc

N_NODES = 100000
EMB = 128
N_REL = 6
E_PER_REL = 65536

_NC, _NS = 2, 16
_NW = _NC * _NS
_ROWS_TOTAL = 2 * N_REL * E_PER_REL
_ROWS_PER_W = _ROWS_TOTAL // _NW
_CH = 256
_N_CH = _ROWS_PER_W // _CH


def _gather_rows(table, idx_flat):
    mesh = plsc.VectorSubcoreMesh(core_axis_name="c", subcore_axis_name="s")

    @functools.partial(
        pl.kernel,
        mesh=mesh,
        out_type=jax.ShapeDtypeStruct((_ROWS_TOTAL, EMB), jnp.float32),
        scratch_types=[
            pltpu.VMEM((_CH,), jnp.int32),
            pltpu.VMEM((_CH, EMB), jnp.float32),
            pltpu.SemaphoreType.DMA,
        ],
    )
    def gather_kernel(table_hbm, idx_hbm, out_hbm, idx_v, rows_v, gsem):
        wid = lax.axis_index("s") * _NC + lax.axis_index("c")
        base0 = wid * _ROWS_PER_W

        def body(i, carry):
            base = base0 + i * _CH
            pltpu.sync_copy(idx_hbm.at[pl.ds(base, _CH)], idx_v)
            pltpu.async_copy(table_hbm.at[idx_v], rows_v, gsem).wait()
            pltpu.sync_copy(rows_v, out_hbm.at[pl.ds(base, _CH)])
            return carry

        lax.fori_loop(0, _N_CH, body, 0)

    return gather_kernel(table, idx_flat)


_BE = 4096


def _scores(src_g, dst_g, rel_mat):

    def body(src_ref, dst_ref, rel_ref, out_ref):
        s = jnp.dot(src_ref[0], rel_ref[0], preferred_element_type=jnp.float32)
        out_ref[...] = jnp.sum(s * dst_ref[0], axis=-1).reshape(_BE // 512, 512)

    return pl.pallas_call(
        body,
        grid=(N_REL, E_PER_REL // _BE),
        in_specs=[
            pl.BlockSpec((1, _BE, EMB), lambda r, e: (r, e, 0)),
            pl.BlockSpec((1, _BE, EMB), lambda r, e: (r, e, 0)),
            pl.BlockSpec((1, EMB, EMB), lambda r, e: (r, 0, 0)),
        ],
        out_specs=pl.BlockSpec(
            (_BE // 512, 512),
            lambda r, e: (r * (E_PER_REL // _BE) + e, 0),
        ),
        out_shape=jax.ShapeDtypeStruct(
            (N_REL * E_PER_REL // 512, 512), jnp.float32
        ),
    )(src_g, dst_g, rel_mat)


_RB = 5000


def _graph_embd(table, W1, b1_row, W2_row, b2_s):

    def body(t_ref, w1_ref, b1_ref, w2_ref, b2_ref, out_ref, acc):
        i = pl.program_id(0)

        @pl.when(i == 0)
        def _init():
            acc[...] = jnp.zeros_like(acc)

        acc[...] += jnp.sum(t_ref[...], axis=0, keepdims=True)

        @pl.when(i == pl.num_programs(0) - 1)
        def _fin():
            mean = acc[...] * (1.0 / N_NODES)
            h = jnp.maximum(
                jnp.dot(mean, w1_ref[...], preferred_element_type=jnp.float32)
                + b1_ref[...],
                0.0,
            )
            out_ref[...] = jnp.sum(h * w2_ref[...]).reshape(1, 1) + b2_ref[...]

    return pl.pallas_call(
        body,
        grid=(N_NODES // _RB,),
        in_specs=[
            pl.BlockSpec((_RB, EMB), lambda i: (i, 0)),
            pl.BlockSpec((EMB, EMB // 2), lambda i: (0, 0)),
            pl.BlockSpec((1, EMB // 2), lambda i: (0, 0)),
            pl.BlockSpec((1, EMB // 2), lambda i: (0, 0)),
            pl.BlockSpec((1, 1), lambda i: (0, 0)),
        ],
        out_specs=pl.BlockSpec((1, 1), lambda i: (0, 0)),
        out_shape=jax.ShapeDtypeStruct((1, 1), jnp.float32),
        scratch_shapes=[pltpu.VMEM((1, EMB), jnp.float32)],
    )(table, W1, b1_row, W2_row, b2_s)


def kernel(table, rel_mat, W1, b1, W2, b2, src_idx, dst_idx):
    idx_flat = jnp.concatenate(
        [src_idx.reshape(-1), dst_idx.reshape(-1)]
    ).astype(jnp.int32)
    gathered = _gather_rows(table, idx_flat)
    n_edges = N_REL * E_PER_REL
    src_g = gathered[:n_edges].reshape(N_REL, E_PER_REL, EMB)
    dst_g = gathered[n_edges:].reshape(N_REL, E_PER_REL, EMB)
    scores = _scores(src_g, dst_g, rel_mat)
    g = _graph_embd(
        table,
        W1,
        b1.reshape(1, EMB // 2),
        W2.reshape(1, EMB // 2),
        b2.reshape(1, 1),
    )
    return jnp.concatenate([scores.reshape(-1), g.reshape(-1)])

# --- scband reference (transcript-rebuilt; emitter-appended) ---
"""Pipeline reference for scband-he-gan-39883066310759 (READ-ONLY COPY).

The authoritative reference and input builder live on the scoring server;
editing this copy changes nothing except your own understanding.
"""

import jax, jax.numpy as jnp
import numpy as np

N_NODES = 100000
EMB = 128
N_REL = 6
E_PER_REL = 65536

def setup_inputs(seed: int = 0) -> dict:
    key = jax.random.key(seed)
    ks = jax.random.split(key, 8)
    table = jax.random.normal(ks[0], (N_NODES, EMB), dtype=jnp.float32)
    # xavier-normal-ish relation matrices (as in nn.init.xavier_normal_)
    rel_mat = jax.random.normal(ks[1], (N_REL, EMB, EMB), dtype=jnp.float32) * jnp.sqrt(2.0 / (EMB + EMB))
    W1 = jax.random.normal(ks[2], (EMB, EMB // 2), dtype=jnp.float32) * (1.0 / jnp.sqrt(EMB))
    b1 = jnp.zeros((EMB // 2,), dtype=jnp.float32)
    W2 = jax.random.normal(ks[3], (EMB // 2, 1), dtype=jnp.float32) * (1.0 / jnp.sqrt(EMB // 2))
    b2 = jnp.zeros((1,), dtype=jnp.float32)
    src_idx = jax.random.randint(ks[4], (N_REL, E_PER_REL), 0, N_NODES, dtype=jnp.int64 if jax.config.jax_enable_x64 else jnp.int32).astype(jnp.int32)
    dst_idx = jax.random.randint(ks[5], (N_REL, E_PER_REL), 0, N_NODES, dtype=jnp.int64 if jax.config.jax_enable_x64 else jnp.int32).astype(jnp.int32)
    return {"table": table, "rel_mat": rel_mat, "W1": W1, "b1": b1, "W2": W2, "b2": b2, "src_idx": src_idx, "dst_idx": dst_idx}

def reference(table, rel_mat, W1, b1, W2, b2, src_idx, dst_idx):
    # HeGAN Discriminator score_pred: for each relation et,
    #   s = src_h @ M_r ; score = sum(s * dst_h, dim=-1)
    src_h = jnp.take(table, src_idx, axis=0)          # [R, E, d] embedding gather
    dst_h = jnp.take(table, dst_idx, axis=0)          # [R, E, d] embedding gather
    s = jnp.einsum('red,rdk->rek', src_h, rel_mat)    # per-edge bilinear transform
    scores = jnp.sum(s * dst_h, axis=-1)              # [R, E]
    # graph embedding: dgl.mean_nodes over node embeddings, then 2-layer MLP
    hg_mean = jnp.mean(table, axis=0)                 # [d]
    h = jnp.maximum(hg_mean @ W1 + b1, 0.0)
    graph_embd = h @ W2 + b2                          # [1]
    return jnp.concatenate([scores.reshape(-1), graph_embd.reshape(-1)])

if __name__ == "__main__":
    import jax
    _d = setup_inputs()
    print(jax.jit(kernel)(*tuple(_d.values())))

</pallas_src>

<mosaic_0001>
#map = affine_map<(d0, d1) -> (0, 0)>
#map1 = affine_map<(d0, d1) -> (0)>
module attributes {stable_mosaic.version = 14 : i64} {
  func.func @gather_kernel(%arg0: i32, %arg1: i32, %arg2: memref<100000x128xf32, #tpu.memory_space<hbm>>, %arg3: memref<786432xi32, #tpu.memory_space<hbm>>, %arg4: memref<786432x128xf32, #tpu.memory_space<hbm>>, %arg5: memref<256xi32, #tpu.memory_space<vmem>>, %arg6: memref<256x128xf32, #tpu.memory_space<vmem>>, %arg7: memref<!tpu.dma_semaphore, #tpu.memory_space<semaphore_mem>>) attributes {dimension_semantics = [#tpu.dimension_semantics<core_parallel>, #tpu.dimension_semantics<subcore_parallel>], iteration_bounds = array<i64: 2, 16>, scalar_prefetch = 0 : i64, scratch_operands = 3 : i64, tpu.core_type = #tpu.core_type<sc_vector_subcore>, window_params = [{transform_indices = #map}, {transform_indices = #map1}, {transform_indices = #map}]} {
    %mul3A = arith.constant 2 : i32
    %mul3A_0 = arith.muli %arg1, %mul3A : i32
    %add3A = arith.addi %mul3A_0, %arg0 : i32
    %mul3A_1 = arith.constant 24576 : i32
    %mul3A_2 = arith.muli %add3A, %mul3A_1 : i32
    %scan3A = arith.constant 0 : i32
    %scan3A_3 = arith.constant 0 : i32
    %scan3A_4 = arith.constant 96 : i32
    %scan3A_5 = arith.addi %scan3A_3, %scan3A_4 : i32
    %scan3A_6 = arith.constant 1 : i32
    scf.for %scan3A_8 = %scan3A_3 to %scan3A_5 step %scan3A_6  : i32 {
      %mul3A_9 = arith.constant 256 : i32
      %mul3A_10 = arith.muli %scan3A_8, %mul3A_9 : i32
      %add3A_11 = arith.addi %mul3A_2, %mul3A_10 : i32
      "tpu.region"() ({
        %run_scoped3A = tpu.sem_alloc : memref<!tpu.dma_semaphore, #tpu.memory_space<semaphore_mem>>
        %dma_start3A_16 = tpu.memref_slice %arg3[%add3A_11] : memref<786432xi32, #tpu.memory_space<hbm>> -> memref<256xi32, #tpu.memory_space<hbm>>
        %dma_start3A_17 = tpu.memref_slice %arg3[%add3A_11] : memref<786432xi32, #tpu.memory_space<hbm>> -> memref<256xi32, #tpu.memory_space<hbm>>
        tpu.enqueue_dma source(%dma_start3A_17 : memref<256xi32, #tpu.memory_space<hbm>>) target(%arg5 : memref<256xi32, #tpu.memory_space<vmem>>) target_semaphore(%run_scoped3A : memref<!tpu.dma_semaphore, #tpu.memory_space<semaphore_mem>>)
        %dma_wait3A_18 = tpu.memref_slice %arg3[%add3A_11] : memref<786432xi32, #tpu.memory_space<hbm>> -> memref<256xi32, #tpu.memory_space<hbm>>
        %dma_wait3A_19 = tpu.memref_slice %arg3[%add3A_11] : memref<786432xi32, #tpu.memory_space<hbm>> -> memref<256xi32, #tpu.memory_space<hbm>>
        tpu.wait_dma2 semaphore(%run_scoped3A : memref<!tpu.dma_semaphore, #tpu.memory_space<semaphore_mem>>) src(%dma_wait3A_19 : memref<256xi32, #tpu.memory_space<hbm>>) dst(%arg5 : memref<256xi32, #tpu.memory_space<vmem>>)
        tpu.yield
      }) : () -> ()
      %dma_start3A = arith.constant 0 : i32
      %dma_start3A_12 = arith.constant 0 : i32
      %dma_start3A_13 = tpu.memref_slice %arg2[%dma_start3A, %dma_start3A_12] : memref<100000x128xf32, #tpu.memory_space<hbm>> -> memref<100000x128xf32, #tpu.memory_space<hbm>>
      tpu.enqueue_indirect_dma source(%dma_start3A_13 : memref<100000x128xf32, #tpu.memory_space<hbm>>) target(%arg6 : memref<256x128xf32, #tpu.memory_space<vmem>>) offsets(%arg5 : memref<256xi32, #tpu.memory_space<vmem>>) semaphore(%arg7 : memref<!tpu.dma_semaphore, #tpu.memory_space<semaphore_mem>>)
      %dma_wait3A = arith.constant 0 : i32
      %dma_wait3A_14 = arith.constant 0 : i32
      %dma_wait3A_15 = tpu.memref_slice %arg2[%dma_wait3A, %dma_wait3A_14] : memref<100000x128xf32, #tpu.memory_space<hbm>> -> memref<100000x128xf32, #tpu.memory_space<hbm>>
      tpu.wait_indirect_dma semaphore(%arg7 : memref<!tpu.dma_semaphore, #tpu.memory_space<semaphore_mem>>) src(%dma_wait3A_15 : memref<100000x128xf32, #tpu.memory_space<hbm>>) dst(%arg6 : memref<256x128xf32, #tpu.memory_space<vmem>>)
      "tpu.region"() ({
        %run_scoped3A = tpu.sem_alloc : memref<!tpu.dma_semaphore, #tpu.memory_space<semaphore_mem>>
        %dma_start3A_16 = arith.constant 0 : i32
        %dma_start3A_17 = tpu.memref_slice %arg4[%add3A_11, %dma_start3A_16] : memref<786432x128xf32, #tpu.memory_space<hbm>> -> memref<256x128xf32, #tpu.memory_space<hbm>>
        %dma_start3A_18 = arith.constant 0 : i32
        %dma_start3A_19 = tpu.memref_slice %arg4[%add3A_11, %dma_start3A_18] : memref<786432x128xf32, #tpu.memory_space<hbm>> -> memref<256x128xf32, #tpu.memory_space<hbm>>
        tpu.enqueue_dma source(%arg6 : memref<256x128xf32, #tpu.memory_space<vmem>>) target(%dma_start3A_19 : memref<256x128xf32, #tpu.memory_space<hbm>>) target_semaphore(%run_scoped3A : memref<!tpu.dma_semaphore, #tpu.memory_space<semaphore_mem>>)
        %dma_wait3A_20 = arith.constant 0 : i32
        %dma_wait3A_21 = tpu.memref_slice %arg4[%add3A_11, %dma_wait3A_20] : memref<786432x128xf32, #tpu.memory_space<hbm>> -> memref<256x128xf32, #tpu.memory_space<hbm>>
        %dma_wait3A_22 = arith.constant 0 : i32
        %dma_wait3A_23 = tpu.memref_slice %arg4[%add3A_11, %dma_wait3A_22] : memref<786432x128xf32, #tpu.memory_space<hbm>> -> memref<256x128xf32, #tpu.memory_space<hbm>>
        tpu.wait_dma2 semaphore(%run_scoped3A : memref<!tpu.dma_semaphore, #tpu.memory_space<semaphore_mem>>) src(%arg6 : memref<256x128xf32, #tpu.memory_space<vmem>>) dst(%dma_wait3A_23 : memref<256x128xf32, #tpu.memory_space<hbm>>)
        tpu.yield
      }) : () -> ()
    }
    %scan3A_7 = arith.constant 96 : i32
    return
  }
}

module attributes {stable_mosaic.version = 14 : i64} {
  func.func @body(%arg0: i32, %arg1: memref<5000x128xf32, #tpu.memory_space<vmem>>, %arg2: memref<128x64xf32, #tpu.memory_space<vmem>>, %arg3: memref<1x64xf32, #tpu.memory_space<vmem>>, %arg4: memref<1x64xf32, #tpu.memory_space<vmem>>, %arg5: memref<1x1xf32, #tpu.memory_space<vmem>>, %arg6: memref<1x1xf32, #tpu.memory_space<vmem>>, %arg7: memref<1x128xf32, #tpu.memory_space<vmem>>) attributes {dimension_semantics = [#tpu.dimension_semantics<arbitrary>], iteration_bounds = array<i64: 20>, scalar_prefetch = 0 : i64, scratch_operands = 1 : i64, tpu.core_type = #tpu.core_type<tc>, window_params = [{transform_indices = @transform_0, window_bounds = array<i64: 5000, 128>}, {pipeline_mode = #tpu.pipeline_mode<synchronous>, transform_indices = @transform_1, window_bounds = array<i64: 128, 64>}, {pipeline_mode = #tpu.pipeline_mode<synchronous>, transform_indices = @transform_2, window_bounds = array<i64: 1, 64>}, {pipeline_mode = #tpu.pipeline_mode<synchronous>, transform_indices = @transform_3, window_bounds = array<i64: 1, 64>}, {pipeline_mode = #tpu.pipeline_mode<synchronous>, transform_indices = @transform_4, window_bounds = array<i64: 1, 1>}, {pipeline_mode = #tpu.pipeline_mode<synchronous>, transform_indices = @transform_5, window_bounds = array<i64: 1, 1>}]} {
    %eq3A = arith.constant 0 : i32
    %eq3A_0 = arith.cmpi eq, %arg0, %eq3A : i32
    %convert_element_type3A = arith.extui %eq3A_0 : i1 to i32
    %cond3A = arith.constant 0 : i32
    %cond3A_1 = arith.cmpi ne, %convert_element_type3A, %cond3A : i32
    scf.if %cond3A_1 {
      %broadcast_in_dim3A_15 = arith.constant 0.000000e+00 : f32
      %broadcast_in_dim3A_16 = vector.broadcast %broadcast_in_dim3A_15 : f32 to vector<1x128xf32>
      %swap3A_17 = arith.constant 0 : index
      %swap3A_18 = arith.constant 0 : index
      %swap3A_19 = vector.load %arg7[%swap3A_17, %swap3A_18] : memref<1x128xf32, #tpu.memory_space<vmem>>, vector<1x128xf32>
      tpu.vector_store %arg7[%swap3A_17, %swap3A_18], %broadcast_in_dim3A_16 {strides = array<i32>} : memref<1x128xf32, #tpu.memory_space<vmem>>, vector<1x128xf32>,
    } else {
    }
    %get3A = arith.constant 0 : index
    %get3A_2 = arith.constant 0 : index
    %get3A_3 = vector.load %arg7[%get3A, %get3A_2] : memref<1x128xf32, #tpu.memory_space<vmem>>, vector<1x128xf32>
    %get3A_4 = arith.constant 0 : index
    %get3A_5 = arith.constant 0 : index
    %get3A_6 = vector.load %arg1[%get3A_4, %get3A_5] : memref<5000x128xf32, #tpu.memory_space<vmem>>, vector<5000x128xf32>
    %reduce_sum3A = arith.constant dense<0.000000e+00> : vector<128xf32>
    %reduce_sum3A_7 = vector.multi_reduction <add>, %get3A_6, %reduce_sum3A [0] : vector<5000x128xf32> to vector<128xf32>
    %broadcast_in_dim3A = vector.shape_cast %reduce_sum3A_7 : vector<128xf32> to vector<1x128xf32>
    %add3A = arith.addf %get3A_3, %broadcast_in_dim3A : vector<1x128xf32>
    %swap3A = arith.constant 0 : index
    %swap3A_8 = arith.constant 0 : index
    %swap3A_9 = vector.load %arg7[%swap3A, %swap3A_8] : memref<1x128xf32, #tpu.memory_space<vmem>>, vector<1x128xf32>
    tpu.vector_store %arg7[%swap3A, %swap3A_8], %add3A {strides = array<i32>} : memref<1x128xf32, #tpu.memory_space<vmem>>, vector<1x128xf32>,
    %eq3A_10 = arith.constant 19 : i32
    %eq3A_11 = arith.cmpi eq, %arg0, %eq3A_10 : i32
    %convert_element_type3A_12 = arith.extui %eq3A_11 : i1 to i32
    %cond3A_13 = arith.constant 0 : i32
    %cond3A_14 = arith.cmpi ne, %convert_element_type3A_12, %cond3A_13 : i32
    scf.if %cond3A_14 {
      %get3A_15 = arith.constant 0 : index
      %get3A_16 = arith.constant 0 : index
      %get3A_17 = vector.load %arg7[%get3A_15, %get3A_16] : memref<1x128xf32, #tpu.memory_space<vmem>>, vector<1x128xf32>
      %mul3A = arith.constant 9.99999974E-6 : f32
      %mul3A_18 = vector.broadcast %mul3A : f32 to vector<1x128xf32>
      %mul3A_19 = arith.mulf %get3A_17, %mul3A_18 : vector<1x128xf32>
      %get3A_20 = arith.constant 0 : index
      %get3A_21 = arith.constant 0 : index
      %get3A_22 = vector.load %arg2[%get3A_20, %get3A_21] : memref<128x64xf32, #tpu.memory_space<vmem>>, vector<128x64xf32>
      %dot_general3A = arith.constant dense<0.000000e+00> : vector<1x64xf32>
      %dot_general3A_23 = tpu.matmul %mul3A_19, %get3A_22, %dot_general3A {dimension_numbers = #tpu.dot_dimension_numbers<[1], [0], [0], [1], [0, 0, 1, 1], [], []>, transpose_lhs_hint = false} : vector<1x128xf32>, vector<128x64xf32>, vector<1x64xf32> -> vector<1x64xf32>
      %get3A_24 = arith.constant 0 : index
      %get3A_25 = arith.constant 0 : index
      %get3A_26 = vector.load %arg3[%get3A_24, %get3A_25] : memref<1x64xf32, #tpu.memory_space<vmem>>, vector<1x64xf32>
      %add3A_27 = arith.addf %dot_general3A_23, %get3A_26 : vector<1x64xf32>
      %max3A = arith.constant 0.000000e+00 : f32
      %max3A_28 = vector.broadcast %max3A : f32 to vector<1x64xf32>
      %max3A_29 = arith.maximumf %add3A_27, %max3A_28 : vector<1x64xf32>
      %get3A_30 = arith.constant 0 : index
      %get3A_31 = arith.constant 0 : index
      %get3A_32 = vector.load %arg4[%get3A_30, %get3A_31] : memref<1x64xf32, #tpu.memory_space<vmem>>, vector<1x64xf32>
      %mul3A_33 = arith.mulf %max3A_29, %get3A_32 : vector<1x64xf32>
      %reduce_sum3A_34 = vector.shape_cast %mul3A_33 : vector<1x64xf32> to vector<1x1x64xf32>
      %reduce_sum3A_35 = arith.constant dense<0.000000e+00> : vector<1xf32>
      %reduce_sum3A_36 = vector.multi_reduction <add>, %reduce_sum3A_34, %reduce_sum3A_35 [1, 2] : vector<1x1x64xf32> to vector<1xf32>
      %reduce_sum3A_37 = vector.shape_cast %reduce_sum3A_36 : vector<1xf32> to vector<1x1x1xf32>
      %reduce_sum3A_38 = vector.extract %reduce_sum3A_37[0, 0, 0] : f32 from vector<1x1x1xf32>
      %reshape3A = vector.broadcast %reduce_sum3A_38 : f32 to vector<1x1xf32>
      %get3A_39 = arith.constant 0 : index
      %get3A_40 = arith.constant 0 : index
      %get3A_41 = vector.load %arg5[%get3A_39, %get3A_40] : memref<1x1xf32, #tpu.memory_space<vmem>>, vector<1x1xf32>
      %add3A_42 = arith.addf %reshape3A, %get3A_41 : vector<1x1xf32>
      %swap3A_43 = arith.constant 0 : index
      %swap3A_44 = arith.constant 0 : index
      %swap3A_45 = vector.load %arg6[%swap3A_43, %swap3A_44] : memref<1x1xf32, #tpu.memory_space<vmem>>, vector<1x1xf32>
      tpu.vector_store %arg6[%swap3A_43, %swap3A_44], %add3A_42 {strides = array<i32>} : memref<1x1xf32, #tpu.memory_space<vmem>>, vector<1x1xf32>,
    } else {
    }
    return
  }
  func.func @transform_0(%arg0: i32) -> (i32, i32) {
    %c0_i32 = arith.constant 0 : i32
    %c0_i32_0 = arith.constant 0 : i32
    return %arg0, %c0_i32 : i32, i32
  }
  func.func @transform_1(%arg0: i32) -> (i32, i32) {
    %c0_i32 = arith.constant 0 : i32
    %c0_i32_0 = arith.constant 0 : i32
    %c0_i32_1 = arith.constant 0 : i32
    return %c0_i32, %c0_i32_0 : i32, i32
  }
  func.func @transform_2(%arg0: i32) -> (i32, i32) {
    %c0_i32 = arith.constant 0 : i32
    %c0_i32_0 = arith.constant 0 : i32
    %c0_i32_1 = arith.constant 0 : i32
    return %c0_i32, %c0_i32_0 : i32, i32
  }
  func.func @transform_3(%arg0: i32) -> (i32, i32) {
    %c0_i32 = arith.constant 0 : i32
    %c0_i32_0 = arith.constant 0 : i32
    %c0_i32_1 = arith.constant 0 : i32
    return %c0_i32, %c0_i32_0 : i32, i32
  }
  func.func @transform_4(%arg0: i32) -> (i32, i32) {
    %c0_i32 = arith.constant 0 : i32
    %c0_i32_0 = arith.constant 0 : i32
    %c0_i32_1 = arith.constant 0 : i32
    return %c0_i32, %c0_i32_0 : i32, i32
  }
  func.func @transform_5(%arg0: i32) -> (i32, i32) {
    %c0_i32 = arith.constant 0 : i32
    %c0_i32_0 = arith.constant 0 : i32
    %c0_i32_1 = arith.constant 0 : i32
    return %c0_i32, %c0_i32_0 : i32, i32
  }
}

module attributes {stable_mosaic.version = 14 : i64} {
  func.func @body(%arg0: i32, %arg1: i32, %arg2: memref<1x4096x128xf32, #tpu.memory_space<vmem>>, %arg3: memref<1x4096x128xf32, #tpu.memory_space<vmem>>, %arg4: memref<1x128x128xf32, #tpu.memory_space<vmem>>, %arg5: memref<8x512xf32, #tpu.memory_space<vmem>>) attributes {dimension_semantics = [#tpu.dimension_semantics<arbitrary>, #tpu.dimension_semantics<arbitrary>], iteration_bounds = array<i64: 6, 16>, scalar_prefetch = 0 : i64, scratch_operands = 0 : i64, tpu.core_type = #tpu.core_type<tc>, window_params = [{transform_indices = @transform_0, window_bounds = array<i64: 1, 4096, 128>}, {transform_indices = @transform_1, window_bounds = array<i64: 1, 4096, 128>}, {transform_indices = @transform_2, window_bounds = array<i64: 1, 128, 128>}, {transform_indices = @transform_3, window_bounds = array<i64: 8, 512>}]} {
    %get3A = arith.constant 0 : index
    %get3A_0 = arith.constant 0 : index
    %get3A_1 = arith.constant 0 : index
    %get3A_2 = vector.load %arg2[%get3A, %get3A_0, %get3A_1] : memref<1x4096x128xf32, #tpu.memory_space<vmem>>, vector<1x4096x128xf32>
    %get3A_3 = vector.shape_cast %get3A_2 : vector<1x4096x128xf32> to vector<4096x128xf32>
    %get3A_4 = arith.constant 0 : index
    %get3A_5 = arith.constant 0 : index
    %get3A_6 = arith.constant 0 : index
    %get3A_7 = vector.load %arg4[%get3A_4, %get3A_5, %get3A_6] : memref<1x128x128xf32, #tpu.memory_space<vmem>>, vector<1x128x128xf32>
    %get3A_8 = vector.shape_cast %get3A_7 : vector<1x128x128xf32> to vector<128x128xf32>
    %dot_general3A = arith.constant dense<0.000000e+00> : vector<4096x128xf32>
    %dot_general3A_9 = tpu.matmul %get3A_3, %get3A_8, %dot_general3A {dimension_numbers = #tpu.dot_dimension_numbers<[1], [0], [0], [1], [0, 0, 1, 1], [], []>, transpose_lhs_hint = false} : vector<4096x128xf32>, vector<128x128xf32>, vector<4096x128xf32> -> vector<4096x128xf32>
    %get3A_10 = arith.constant 0 : index
    %get3A_11 = arith.constant 0 : index
    %get3A_12 = arith.constant 0 : index
    %get3A_13 = vector.load %arg3[%get3A_10, %get3A_11, %get3A_12] : memref<1x4096x128xf32, #tpu.memory_space<vmem>>, vector<1x4096x128xf32>
    %get3A_14 = vector.shape_cast %get3A_13 : vector<1x4096x128xf32> to vector<4096x128xf32>
    %mul3A = arith.mulf %dot_general3A_9, %get3A_14 : vector<4096x128xf32>
    %reduce_sum3A = arith.constant dense<0.000000e+00> : vector<4096xf32>
    %reduce_sum3A_15 = vector.multi_reduction <add>, %mul3A, %reduce_sum3A [1] : vector<4096x128xf32> to vector<4096xf32>
    %reshape3A = vector.shape_cast %reduce_sum3A_15 : vector<4096xf32> to vector<8x512xf32>
    %swap3A = arith.constant 0 : index
    %swap3A_16 = arith.constant 0 : index
    %swap3A_17 = vector.load %arg5[%swap3A, %swap3A_16] : memref<8x512xf32, #tpu.memory_space<vmem>>, vector<8x512xf32>
    tpu.vector_store %arg5[%swap3A, %swap3A_16], %reshape3A {strides = array<i32>} : memref<8x512xf32, #tpu.memory_space<vmem>>, vector<8x512xf32>,
    return
  }
  func.func @transform_0(%arg0: i32, %arg1: i32) -> (i32, i32, i32) {
    %c0_i32 = arith.constant 0 : i32
    %c0_i32_0 = arith.constant 0 : i32
    return %arg0, %arg1, %c0_i32 : i32, i32, i32
  }
  func.func @transform_1(%arg0: i32, %arg1: i32) -> (i32, i32, i32) {
    %c0_i32 = arith.constant 0 : i32
    %c0_i32_0 = arith.constant 0 : i32
    return %arg0, %arg1, %c0_i32 : i32, i32, i32
  }
  func.func @transform_2(%arg0: i32, %arg1: i32) -> (i32, i32, i32) {
    %c0_i32 = arith.constant 0 : i32
    %c0_i32_0 = arith.constant 0 : i32
    %c0_i32_1 = arith.constant 0 : i32
    return %arg0, %c0_i32, %c0_i32_0 : i32, i32, i32
  }
  func.func @transform_3(%arg0: i32, %arg1: i32) -> (i32, i32) {
    %mul3A = arith.constant 16 : i32
    %mul3A_0 = arith.muli %arg0, %mul3A : i32
    %add3A = arith.addi %mul3A_0, %arg1 : i32
    %c0_i32 = arith.constant 0 : i32
    %c0_i32_1 = arith.constant 0 : i32
    return %add3A, %c0_i32 : i32, i32
  }
}

</mosaic_0001>

<sc_bundles>
// kernel: kernel.5.cloned.1.call-start
scs
__scs_entry_jumppad:
0x0: {  	(pc) =	sbr.rel $0x88, $3  }
0x1: {  	(tag) =	ssettag $0x0;
	lr =	simm.s32 $0x1  }
0x2: {  	[smem:$0x3F99] =	sst lr;
	_ =	strace $0xD0000000  }
0x3: {  	_ = 	snop  }
0x4: {  	_ = 	snop  }
0x5: {  	_ = 	snop  }
0x6: {  	_ = 	snop  }
0x7: {  	_ = 	snop  }
__scs_overlays_trampoline_lowered:
0x8: {  	[smem:$0x3FA8] =	sst s0  }
0x9: {  	[smem:$0x3FA9] =	sst s1  }
0xa: {  	[smem:$0x3FAA] =	sst s2  }
0xb: {  	[smem:$0x3FAB] =	sst s3  }
0xc: {  	[smem:$0x3FAC] =	sst s4  }
0xd: {  	[smem:$0x3FAD] =	sst s5  }
0xe: {  	[smem:$0x3FAE] =	sst s6  }
0xf: {  	[smem:$0x3FAF] =	sst s7  }
0x10: {  	[smem:$0x3FB0] =	sst s8  }
0x11: {  	[smem:$0x3FB1] =	sst s9;
	s0 =	simm.s32 @!p0 $0x0  }
0x12: {  	s1 =	sld [smem:$0x3F97];
	s0 =	simm.s32 @p0 $0x1  }
0x13: {  	[smem:$0x3FB2] =	sst s0;
	s0 =	simm.s32 @!p1 $0x0  }
0x14: {  	s2 =	sld [smem:$0x3F96];
	s0 =	simm.s32 @p1 $0x1  }
0x15: {  	[smem:$0x3FB3] =	sst s0;
	s0 =	simm.s32 @!p2 $0x0  }
0x16: {  	s3 =	sld [smem:$0x3FDB];
	s0 =	simm.s32 @p2 $0x1  }
0x17: {  	s4 =	simm.s32 $0x1BF5;
	[smem:$0x3FB5] =	sst s0  }
0x18: {  	s0 =	sld [smem:$0x3F98];
	_ =	swait.ge [sflag:s4], $0x0  }
0x19: {  	s7 =	sld [smem:$0x3F99]  }
0x1a: {  	s8 =	sadd.s32 $0xFFFFE003, lr  }
0x1b: {  	s9 =	sadd.s32 $0xFFFFFEF7, lr;
	s5 =	simm.s32 $0xFFFFFFFF;
	p2 =	slt.u32 s8, $0xFFFFF086  }
0x1c: {  	p1 =	slt.u32 s9, $0xF7A;
	s5 =	simm.s32 @!p2 $0x0  }
0x1d: {  	s5 =	simm.s32 @p1 $0x1;
	p0 =	seq.s32 s7, s2  }
0x1e: {  	s7 =	smul.u32 @!p0 $0xF7A, s2;
	p2 =	seq.s32 @!p0 s5, $0x0  }
0x1f: {  	s9 =	smul.u32 $0xF7A, s1;
	s8 =	simm.s32 @!p0 $0x1BF5;
	p2 =	por !p2, p0  }
0x20: {  	[sflag:s8] =	ssyncset.s32 @!p0 $0xFFFFF086;
	s6 =	sadd.s32 @!p0 s3, s7;
	s7 =	simm.s32 @!p0 $0x108  }
0x21: {  	s3 =	sadd.s32 s3, s9;
	s6 =	sadd.s32 @!p0 $0x88, s6;
	s7 =	simm.s32 @p2 $0x1082  }
0x22: {  	[simem:s7], [sflag:s8] =	dma.local @!p0 [hbm:s6], $0xF7A  }
0x23: {  	s9 =	sor.u32 $0xD0000000, s2;
	s6 =	simm.s32 $0x108;
	_ =	swait.ge @!p0 [sflag:s8], $0x0  }
0x24: {  	s3 =	sadd.s32 $0x88, s3;
	s6 =	simm.s32 @!p1 $0x1082;
	[sflag:s4] =	ssyncset.s32 $0xFFFFF086  }
0x25: {  	[simem:s6], [sflag:s4] =	dma.local [hbm:s3], $0xF7A  }
0x26: {  	[smem:$0x3F99] =	sst s1;
	(tag) =	ssettag s2;
	_ =	strace s9  }
0x27: {  	s1 =	sld [smem:$0x3FA9]  }
0x28: {  	s2 =	sld [smem:$0x3FAA]  }
0x29: {  	s4 =	sld [smem:$0x3FAC]  }
0x2a: {  	p0 =	seq.s32 s5, $0x0;
	s5 =	sld [smem:$0x3FAD]  }
0x2b: {  	s6 =	sld [smem:$0x3FAE]  }
0x2c: {  	s7 =	sld [smem:$0x3FAF]  }
0x2d: {  	s3 =	simm.s32 $0x108;
	s8 =	sld [smem:$0x3FB0]  }
0x2e: {  	s3 =	simm.s32 @!p0 $0x1082;
	s9 =	sld [smem:$0x3FB1]  }
0x2f: {  	lr =	sadd.s32 s0, s3;
	s0 =	sld [smem:$0x3FA8]  }
0x30: {  	s3 =	sld [smem:$0x3FAB]  }
0x31: {  	[smem:$0x3FB4] =	sst s10  }
0x32: {  	s10 =	sld [smem:$0x3FB2];
	_ =	sdelay $0x3  }
0x33: {  	p0 =	seq.s32 s10, $0x1;
	s10 =	sld [smem:$0x3FB4];
	_ =	sdelay $0x3  }
0x34: {  	[smem:$0x3FB4] =	sst s10  }
0x35: {  	s10 =	sld [smem:$0x3FB3];
	_ =	sdelay $0x3  }
0x36: {  	p1 =	seq.s32 s10, $0x1;
	s10 =	sld [smem:$0x3FB4];
	_ =	sdelay $0x3  }
0x37: {  	[smem:$0x3FB4] =	sst s10  }
0x38: {  	s10 =	sld [smem:$0x3FB5]  }
0x39: {  	_ = 	snop;
	(pc) =	sbr.ind lr, $3  }
0x3a: {  	_ = 	snop  }
0x3b: {  	_ = 	snop  }
0x3c: {  	p2 =	seq.s32 s10, $0x1;
	s10 =	sld [smem:$0x3FB4]  }
0x3d: {  	_ =	shalt  }
0x3e: {  	_ =	shalt  }
0x3f: {  	_ =	shalt  }
0x40: {  	_ =	shalt  }
0x41: {  	_ =	shalt  }
0x42: {  	_ =	shalt  }
0x43: {  	_ =	shalt  }
0x44: {  	_ =	shalt  }
0x45: {  	_ =	shalt  }
0x46: {  	_ =	shalt  }
0x47: {  	_ =	shalt  }
0x48: {  	_ =	shalt  }
0x49: {  	_ =	shalt  }
0x4a: {  	_ =	shalt  }
0x4b: {  	_ =	shalt  }
0x4c: {  	_ =	shalt  }
0x4d: {  	_ =	shalt  }
0x4e: {  	_ =	shalt  }
0x4f: {  	_ =	shalt  }
0x50: {  	_ =	shalt  }
0x51: {  	_ =	shalt  }
0x52: {  	_ =	shalt  }
0x53: {  	_ =	shalt  }
0x54: {  	_ =	shalt  }
0x55: {  	_ =	shalt  }
0x56: {  	_ =	shalt  }
0x57: {  	_ =	shalt  }
0x58: {  	_ =	shalt  }
0x59: {  	_ =	shalt  }
0x5a: {  	_ =	shalt  }
0x5b: {  	_ =	shalt  }
0x5c: {  	_ =	shalt  }
0x5d: {  	_ =	shalt  }
0x5e: {  	_ =	shalt  }
0x5f: {  	_ =	shalt  }
0x60: {  	_ =	shalt  }
0x61: {  	_ =	shalt  }
0x62: {  	_ =	shalt  }
0x63: {  	_ =	shalt  }
0x64: {  	_ =	shalt  }
0x65: {  	_ =	shalt  }
0x66: {  	_ =	shalt  }
0x67: {  	_ =	shalt  }
0x68: {  	_ =	shalt  }
0x69: {  	_ =	shalt  }
0x6a: {  	_ =	shalt  }
0x6b: {  	_ =	shalt  }
0x6c: {  	_ =	shalt  }
0x6d: {  	_ =	shalt  }
0x6e: {  	_ =	shalt  }
0x6f: {  	_ =	shalt  }
0x70: {  	_ =	shalt  }
0x71: {  	_ =	shalt  }
0x72: {  	_ =	shalt  }
0x73: {  	_ =	shalt  }
0x74: {  	_ =	shalt  }
0x75: {  	_ =	shalt  }
0x76: {  	_ =	shalt  }
0x77: {  	_ =	shalt  }
0x78: {  	_ =	shalt  }
0x79: {  	_ =	shalt  }
0x7a: {  	_ =	shalt  }
0x7b: {  	_ =	shalt  }
0x7c: {  	_ =	shalt  }
0x7d: {  	_ =	shalt  }
0x7e: {  	_ =	shalt  }
0x7f: {  	_ =	shalt  }
0x80: {  	_ =	shalt  }
0x81: {  	_ =	shalt  }
0x82: {  	_ =	shalt  }
0x83: {  	_ =	shalt  }
0x84: {  	_ =	shalt  }
0x85: {  	_ =	shalt  }
0x86: {  	_ =	shalt  }
0x87: {  	_ =	shalt  }
.Lfunc_end0:
.L_simem_size_0:
called_computation_lowered:
.L_overlay_start_0:
0x88: {  	s2 =	sld [smem:$0x3FD9]  }
0x89: {  	s3 =	sld [smem:$0x3FFE];
	_ =	sdelay $0x1  }
0x8a: {  	s1 =	srdreg.scid  }
0x8b: {  	s0 =	sand.u32 $0x1, s1  }
0x8c: {  	s17 =	sshll.u32 s0, $0xA;
	s2 =	sadd.s32 s3, s2  }
0x8d: {  	s2 =	sadd.s32 s2, s17  }
0x8e: {  	[smem:$0x3FC0] =	sst s2  }
0x8f: {  	_ = 	snop  }
0x90: {  	s2 =	sld [smem:$0x3FC9];
	(tm) =	ssettm $0x1  }
0x91: {  	s18 =	sld [smem:$0x3FFB];
	_ =	sdelay $0x3  }
0x92: {  	_ =	strace s18  }
0x93: {  	s3 =	sld [smem:$0x3FFC];
	_ =	sdelay $0x3  }
0x94: {  	_ =	strace s3  }
0x95: {  	s3 =	sld [smem:$0x3FFD];
	_ =	sdelay $0x3  }
0x96: {  	_ =	strace s3  }
0x97: {  	_ =	strace $0x8FFFFFFF  }
0x98: {  	s19 =	sld [smem:$0x3FDB];
	_ =	sdelay $0x1  }
0x99: {  	s4 =	simm.s32 $_scs_section_size  }
0x9a: {  	s5 =	simm.s32 $_size__tile_overlayer_lowered;
	s6 =	simm.s32 $_tile_overlayer_lowered  }
0x9b: {  	s22 =	simm.s32 $0x1BFF;
	s21 =	sshll.u32 s6, $0x1;
	s3 =	sadd.s32 s4, s19  }
0x9c: {  	s7 =	simm.s32 $0x0;
	s20 =	sshll.u32 s5, $0x1;
	s5 =	sadd.s32 s21, s3  }
0x9d: {  	[timem:s7], [sflag:s22] =	dma.local [hbm:s5], s20  }
0x9e: {  	_ =	swait.ge [sflag:s22], s20  }
0x9f: {  	s4 =	ssub.s32 $0x0, s20;
	[sflag:s22] =	ssyncset.done $0x0  }
0xa0: {  	[sflag:s22] =	ssyncadd.s32 s4;
	_ =	sdelay $0x1  }
0xa1: {  	s23 =	simm.s32 $0x1B8B  }
0xa2: {  	_ =	swait.ge [sflag:s23], $0x1  }
0xa3: {  	[sflag:s23] =	ssyncset.done $0x0  }
0xa4: {  	s25 =	simm.s32 $0x1B8E;
	s24 =	sld [smem:$0x3FFE];
	[sflag:s23] =	ssyncadd.s32 $0xFFFFFFFF  }
0xa5: {  	s26 =	simm.s32 $execute0_lowered;
	[smem:$0x3FD2] =	sst s25  }
0xa6: {  	s5 =	sshll.u32 s26, $0x1;
	_ =	strace $0x80000046;
	[dreg:$0x1] =	wrdreg $0xFFFFFFFF  }
0xa7: {  	s28 =	simm.s32 $_size_execute0_lowered;
	s3 =	sadd.s32 s3, s5;
	[dreg:$0x0] =	wrdreg $0x0  }
0xa8: {  	s5 =	sshll.u32 s28, $0x1;
	[dreg:$0x2] =	wrdreg s3  }
0xa9: {  	[dreg:$0x3] =	wrdreg s5  }
0xaa: {  	[dreg:$0x4] =	wrdreg $0xC0  }
0xab: {  	_ =	task [dreg:s7], $0x5FFFF  }
0xac: {  	[dreg:$0x1] =	wrdreg $0xFFFFFFFF  }
0xad: {  	[dreg:$0x0] =	wrdreg $0x60  }
0xae: {  	[dreg:$0x2] =	wrdreg s2  }
0xaf: {  	[dreg:$0x3] =	wrdreg s24  }
0xb0: {  	[dreg:$0x4] =	wrdreg $0x9  }
0xb1: {  	_ =	task.clear_ibuf [dreg:s7], $0x5FFFF;
	_ =	strace $0x90000046  }
0xb2: {  	s29 =	simm.s32 $0x9;
	_ =	strace $0x80000048  }
0xb3: {  	_ =	swait.ge [sflag:s29], $0x1  }
0xb4: {  	[sflag:s29] =	ssyncadd.s32 $0xFFFFFFFF  }
0xb5: {  	_ =	strace $0x90000048  }
0xb6: {  	_ =	sfence  }
0xb7: {  	s30 =	sld [smem:$0x0];
	_ =	sdelay $0x2  }
0xb8: {  	s31 =	sshll.u32 s1, $0xD;
	s1 =	sshrl.u32 s1, $0x2  }
0xb9: {  	s3 =	sand.u32 $0x4000, s31;
	s1 =	sadd.s32 s1, s30  }
0xba: {  	s0 =	sor.u32 s3, s0;
	s1 =	sshll.u32 s1, $0x11  }
0xbb: {  	s0 =	sor.u32 s1, s0  }
0xbc: {  	s0 =	sadd.s32 $0x8F2B, s0  }
0xbd: {  	[sflag:s0] =	ssyncadd.remote.s32 $0x1  }
0xbe: {  	_ =	sfence.sel $0xFFFF  }
0xbf: {  	[dreg:$0x0] =	wrdreg $0xFFFFFFFF;
	(pc) =	sbr.abs _section_cstart, $3  }
0xc0: {  	[dreg:$0x1] =	wrdreg $0xFFFFFFFF  }
0xc1: {  	_ =	task.clear_ibuf [dreg:s7], $0x2FFFF;
	_ =	strace $0x9FFFFFFF  }
0xc2: {  	(tm) =	ssettm $0x7FFFFFFF  }
0xc3: {  	_ =	shalt  }
tec
execute0_lowered:
.L_overlay_start_1:
0x0: {  	(tag) =	ssettag $0x1  }
0x1: {  	s2 =	rddreg [dreg:$0x0]  }
0x2: {  	s4 =	rddreg [dreg:$0x1]  }
0x3: {  	s0 =	rddreg [dreg:$0x2];
	s1 =	stileid.u32  }
0x4: {  	s5 =	srdreg.scid;
	s3 =	simm.s32 $0x0;
	s6 =	smul.u32 $0xC000, s1  }
0x5: {  	s10 =	simm.s32 $0x0;
	s5 =	sand.u32 $0x1, s5;
	s8 =	smul.u32 $0xC0000, s1  }
0x6: {  	[smem:$0x7FF] =	sst s3;
	s7 =	smul.u32 $0x6000, s5;
	s9 =	ssub.s32 $0x2, s5  }
0x7: {  	_ =	strace $0x80000047;
	s5 =	smul.u32 $0x60000, s5;
	s31 =	sshrl.u32 s9, $0x1  }
0x8: {  	s8 =	sadd.s32 s8, s4;
	s6 =	sadd.s32 s7, s6;
	s7 =	ssub.s32 s9, s31  }
0x9: {  	s5 =	sadd.s32 s5, s8;
	s8 =	simm.s32 $0x100;
	s6 =	sshrl.u32 s6, $0x3  }
0xa: {  	s9 =	simm.s32 $0x1;
	s5 =	sadd.s32 $0x19000, s5;
	s6 =	sadd.s32 s6, s4  }
0xb: {  	s4 =	smax.u32 s7, $0x1;
	s7 =	simm.s32 $0x2;
	s6 =	sadd.s32 $0x1000, s6  }
.LBB2_1:
0xc: {  	s11 =	sadd.s32 $0x0, s6  }
0xd: {  	[tilespmem:s3], [sflag:$0x2] =	stream.linear.gather [hbm4b:s11+s3], $0x100, $0x38;
	[tilespmem:$0x8100] =	vst v63  }
0xe: {  	_ =	swait.ge [sflag:s7], $0x100  }
0xf: {  	[sflag:s7] =	ssyncset.done $0x0  }
0x10: {  	[sflag:s7] =	ssyncadd.s32 $0xFFFFFF00  }
0x11: {  	[tilespmem:s8], [sflag:$0x1] =	stream.indirect.gather [hbm4b:s2+s8], $0x80, s3, s8, $0xb8;
	[tilespmem:$0x8100] =	vst v63  }
0x12: {  	_ =	swait.ge [sflag:s9], $0x8000  }
0x13: {  	[sflag:s9] =	ssyncset.done $0x0  }
0x14: {  	[sflag:s9] =	ssyncadd.s32 $0xFFFF8000  }
0x15: {  	[hbm4b:s5+s3] =	stream.linear.scatter [tilespmem:s8], [sflag:$0x2], $0x8000, $0x38;
	[tilespmem:$0x8100] =	vst v63  }
0x16: {  	s12 =	simm.s32 $0x20;
	_ =	swait.ge [sflag:s7], $0x8000  }
0x17: {  	s13 =	simm.s32 $0x40;
	s11 =	sadd.s32 $0x1000, s5;
	[sflag:s7] =	ssyncset.done $0x0  }
.LBB2_2:
0x18: {  	s14 =	sadd.s32 s12, s6  }
0x19: {  	[sflag:s7] =	ssyncadd.s32 $0xFFFF8000;
	s12 =	smov.u32 s13;
	s15 =	sadd.s32 $0x20, s13  }
0x1a: {  	[tilespmem:s3], [sflag:$0x2] =	stream.linear.gather [hbm4b:s14+s3], $0x100, $0x38;
	[tilespmem:$0x8100] =	vst v63  }
0x1b: {  	p0 =	sne.s32 s13, $0xBE0;
	_ =	swait.ge [sflag:s7], $0x100  }
0x1c: {  	[sflag:s7] =	ssyncset.done $0x0  }
0x1d: {  	[sflag:s7] =	ssyncadd.s32 $0xFFFFFF00  }
0x1e: {  	[tilespmem:s8], [sflag:$0x1] =	stream.indirect.gather [hbm4b:s2+s8], $0x80, s3, s8, $0xb8;
	[tilespmem:$0x8100] =	vst v63  }
0x1f: {  	_ =	swait.ge [sflag:s9], $0x8000  }
.Ltmp0:
0x20: {  	[sflag:s9] =	ssyncset.done $0x0;
	(pc) =	sbr.rel @p0 .LBB2_2-.Ltmp0, $4  }
0x21: {  	[sflag:s9] =	ssyncadd.s32 $0xFFFF8000  }
0x22: {  	[hbm4b:s11+s3] =	stream.linear.scatter [tilespmem:s8], [sflag:$0x2], $0x8000, $0x38;
	[tilespmem:$0x8100] =	vst v63  }
0x23: {  	_ =	swait.ge [sflag:s7], $0x8000  }
0x24: {  	s13 =	smov.u32 s15;
	s11 =	sadd.s32 $0x1000, s11;
	[sflag:s7] =	ssyncset.done $0x0  }
0x25: {  	s12 =	sadd.s32 s12, s6;
	[sflag:s7] =	ssyncadd.s32 $0xFFFF8000  }
0x26: {  	[tilespmem:s3], [sflag:$0x2] =	stream.linear.gather [hbm4b:s12+s3], $0x100, $0x38;
	[tilespmem:$0x8100] =	vst v63  }
0x27: {  	_ =	swait.ge [sflag:s7], $0x100  }
0x28: {  	[sflag:s7] =	ssyncset.done $0x0  }
0x29: {  	[sflag:s7] =	ssyncadd.s32 $0xFFFFFF00  }
0x2a: {  	[tilespmem:s8], [sflag:$0x1] =	stream.indirect.gather [hbm4b:s2+s8], $0x80, s3, s8, $0xb8;
	[tilespmem:$0x8100] =	vst v63  }
0x2b: {  	s10 =	sadd.s32 $0x1, s10;
	_ =	swait.ge [sflag:s9], $0x8000  }
0x2c: {  	p0 =	sne.s32 s10, s4;
	[sflag:s9] =	ssyncset.done $0x0  }
.Ltmp1:
0x2d: {  	[sflag:s9] =	ssyncadd.s32 $0xFFFF8000;
	(pc) =	sbr.rel @p0 .LBB2_1-.Ltmp1, $4  }
0x2e: {  	[hbm4b:s11+s3] =	stream.linear.scatter [tilespmem:s8], [sflag:$0x2], $0x8000, $0x38;
	[tilespmem:$0x8100] =	vst v63  }
0x2f: {  	_ =	swait.ge [sflag:s7], $0x8000  }
0x30: {  	[sflag:s7] =	ssyncset.done $0x0  }
0x31: {  	[sflag:s7] =	ssyncadd.s32 $0xFFFF8000  }
0x32: {  	_ =	sfence.sel $0x180000  }
0x33: {  	[bflag:$0x0] =	sbarrier.arrive $0xFFFF  }
0x34: {  	p0 =	sne.s32 s1, $0x0;
	_ =	strace $0x90000047  }
0x35: {  	s0 =	sadd.s32 @!p0 $0x100000, s0;
	[bflag:$0x2] =	sbarrier.arrive $0xFFFF  }
0x36: {  	[sflag:s0] =	ssyncadd.tile.s32 @!p0 $0x1;
	_ =	shalt  }
.Lfunc_end2:
_tile_overlayer_lowered:
.L_overlay_start_2:
0x37: {  	(tag) =	ssettag $0x2  }
0x38: {  	s0 =	rddreg [dreg:$0x0];
	s2 =	stileid.u32  }
0x39: {  	s1 =	rddreg [dreg:$0x1];
	p0 =	sne.s32 s2, $0x0  }
0x3a: {  	s3 =	rddreg [dreg:$0x2];
	[bflag:$0x3] =	sbarrier.arrive $0xFFFF;
	s2 =	simm.s32 @!p0 $0x1C02  }
0x3b: {  	[timem:s3], [sflag:s2] =	dma.local @!p0 [hbm:s0], s1  }
0x3c: {  	s0 =	simm.s32 @!p0 $0x2  }
0x3d: {  	_ =	swait.ge @!p0 [sflag:s0], s1  }
0x3e: {  	s1 =	ssub.s32 @!p0 $0x0, s1;
	[sflag:s0] =	ssyncset.done @!p0 $0x0  }
0x3f: {  	[sflag:s0] =	ssyncadd.s32 @!p0 s1  }
0x40: {  	[bflag:$0x3] =	sbarrier.arrive $0xFFFF  }
0x41: {  	_ =	shalt  }

</sc_bundles>
